<compile_context>
chip_gen: v7x
topology: tpu7x:2x2x1
jax: 0.10.2.dev20260603
libtpu: 0.0.44.dev20260713+nightly
codegen_flags: <defaults>
</compile_context>

<pallas_src>
import functools

import jax
import jax.numpy as jnp
from jax import lax
from jax.experimental import pallas as pl
from jax.experimental.pallas import tpu as pltpu
from jax.experimental.pallas import tpu_sc as plsc

N = 10000
D = 128
E = 320000
DP = 144
NP = 10112
NC = 2
NS = 16
NW = NC * NS
CH = 128
SUP = 8
NSUP = 10
NCHUNK = SUP * NSUP
EPT = CH * NCHUNK
RPT = NP // NS
RB = 1000


def _tf_body(x_ref, w_ref, b_ref, o_ref):
    xb = x_ref[...]
    sq = jnp.sum(xb * xb, axis=1, keepdims=True)
    norm = jnp.sqrt(sq)
    nc = jnp.clip(norm, 1e-10, 1.0 - 1e-5)
    atanh = 0.5 * jnp.log((1.0 + nc) / (1.0 - nc))
    t = xb * (atanh / jnp.maximum(norm, 1e-10))
    y = lax.dot_general(t, w_ref[...], (((1,), (1,)), ((), ())),
                        preferred_element_type=jnp.float32)
    o_ref[:, :D] = y + b_ref[...]
    col = lax.broadcasted_iota(jnp.int32, (RB, DP - D), 1)
    o_ref[:, D:] = jnp.where(col == 0, 1.0, 0.0)


_transform = pl.pallas_call(
    _tf_body,
    grid=(N // RB,),
    in_specs=[
        pl.BlockSpec((RB, D), lambda i: (i, 0)),
        pl.BlockSpec((D, D), lambda i: (0, 0)),
        pl.BlockSpec((1, D), lambda i: (0, 0)),
    ],
    out_specs=pl.BlockSpec((RB, DP), lambda i: (i, 0)),
    out_shape=jax.ShapeDtypeStruct((N, DP), jnp.float32),
)


def _sc_body(tr_hbm, src_hbm, dst_hbm, z_hbm, acc_hbm,
             acc_sh, src_v, dst_v, rows, sems):
    c = lax.axis_index("c")
    s = lax.axis_index("s")
    w = c * NS + s
    pltpu.sync_copy(z_hbm.at[pl.ds(s * RPT, RPT)], acc_sh.at[pl.ds(s * RPT, RPT)])
    plsc.subcore_barrier()

    gsem, ssem = sems

    def _gather(k, b):
        return pltpu.make_async_copy(tr_hbm.at[src_v.at[k]], rows[b], gsem[b])

    def _scatter_start(k, b):
        pltpu.async_copy(rows[b], acc_sh.at[dst_v.at[k]], ssem[b], add=True)

    def _scatter_wait(k, b):
        pltpu.make_async_copy(rows[b], acc_sh.at[dst_v.at[k]], ssem[b]).wait()

    @pl.loop(0, NSUP)
    def _(sj):
        pltpu.sync_copy(src_hbm.at[w, pl.ds(sj * SUP, SUP)], src_v)
        pltpu.sync_copy(dst_hbm.at[w, pl.ds(sj * SUP, SUP)], dst_v)
        _gather(0, 0).start()
        for k in range(SUP):
            b = k % 2
            _gather(k, b).wait()
            if k + 1 < SUP:
                _gather(k + 1, 1 - b).start()

    plsc.subcore_barrier()
    pltpu.sync_copy(acc_sh.at[pl.ds(s * RPT, RPT)],
                    acc_hbm.at[c, pl.ds(s * RPT, RPT)])


@functools.lru_cache(maxsize=1)
def _make_scatter():
    return pl.kernel(
        _sc_body,
        out_type=jax.ShapeDtypeStruct((NC, NP, DP), jnp.float32),
        mesh=plsc.VectorSubcoreMesh(core_axis_name="c", subcore_axis_name="s",
                                    num_cores=NC, num_subcores=NS),
        compiler_params=pltpu.CompilerParams(use_tc_tiling_on_sc=False),
        scratch_types=[
            pltpu.VMEM_SHARED((NP, DP), jnp.float32),
            pltpu.VMEM((SUP, CH), jnp.int32),
            pltpu.VMEM((SUP, CH), jnp.int32),
            [pltpu.VMEM((CH, DP), jnp.float32),
             pltpu.VMEM((CH, DP), jnp.float32)],
            [[pltpu.SemaphoreType.DMA, pltpu.SemaphoreType.DMA],
             [pltpu.SemaphoreType.DMA, pltpu.SemaphoreType.DMA]],
        ],
    )


def _fin_body(a_ref, o_ref):
    a = a_ref[0] + a_ref[1]
    cnt = a[:, D:D + 1]
    v = a[:, :D] / jnp.maximum(cnt, 1.0)
    norm = jnp.sqrt(jnp.sum(v * v, axis=1, keepdims=True))
    o_ref[...] = jnp.tanh(norm) * v / jnp.maximum(norm, 1e-10)


_finish = pl.pallas_call(
    _fin_body,
    grid=(N // RB,),
    in_specs=[pl.BlockSpec((NC, RB, DP), lambda i: (0, i, 0))],
    out_specs=pl.BlockSpec((RB, D), lambda i: (i, 0)),
    out_shape=jax.ShapeDtypeStruct((N, D), jnp.float32),
)


def kernel(x, edge_index, W, b):
    src = edge_index[0].astype(jnp.int32)
    dst = edge_index[1].astype(jnp.int32)
    pad = NW * EPT - E
    src_p = jnp.concatenate([src, jnp.zeros((pad,), jnp.int32)]).reshape(NW, NCHUNK, CH)
    dst_p = jnp.concatenate([dst, jnp.full((pad,), NP - 1, jnp.int32)]).reshape(NW, NCHUNK, CH)
    zeros = jnp.zeros((NP, DP), jnp.float32)
    tr = _transform(x, W, b.reshape(1, D))
    acc = _make_scatter()(tr, src_p, dst_p, zeros)
    return _finish(acc)

# --- scband reference (transcript-rebuilt; emitter-appended) ---
"""Pipeline reference for scband-hyperbolic-graph-nn-30124900614688 (READ-ONLY COPY).

The authoritative reference and input builder live on the scoring server;
editing this copy changes nothing except your own understanding.
"""

import jax, jax.numpy as jnp
import numpy as np

N_NODES = 10000
N_EDGES = 320000
D = 128


def _logmap0(x):
    # Poincare ball (c=1) log map at origin: artanh(||x||) * x / ||x||
    norm = jnp.linalg.norm(x, axis=-1, keepdims=True)
    norm_clipped = jnp.clip(norm, 1e-10, 1.0 - 1e-5)
    return jnp.arctanh(norm_clipped) * x / jnp.maximum(norm, 1e-10)


def _expmap0(v):
    # Poincare ball (c=1) exp map at origin: tanh(||v||) * v / ||v||
    norm = jnp.linalg.norm(v, axis=-1, keepdims=True)
    return jnp.tanh(norm) * v / jnp.maximum(norm, 1e-10)


def setup_inputs(seed: int = 0) -> dict:
    key = jax.random.key(seed)
    k1, k2, k3 = jax.random.split(key, 3)
    # scale x into the Poincare ball interior (clipping in logmap also guards)
    x = jax.random.normal(k1, (N_NODES, D), dtype=jnp.float32) * 0.05
    edge_index = jax.random.randint(k2, (2, N_EDGES), 0, N_NODES, dtype=jnp.int64)
    W = jax.random.normal(k3, (D, D), dtype=jnp.float32) * 0.02
    b = jnp.zeros((D,), dtype=jnp.float32)
    return {"x": x, "edge_index": edge_index, "W": W, "b": b}


def reference(x, edge_index, W, b):
    # logmap to tangent space at origin
    tangent_x = _logmap0(x)
    # linear layer (nn.Linear: x @ W.T + b)
    transformed = tangent_x @ W.T + b
    # message passing: copy_u('h','m') then mean('m','neigh')
    src = edge_index[0]
    dst = edge_index[1]
    msgs = jnp.take(transformed, src, axis=0)
    summed = jax.ops.segment_sum(msgs, dst, num_segments=N_NODES)
    cnt = jax.ops.segment_sum(jnp.ones((N_EDGES,), dtype=jnp.float32), dst, num_segments=N_NODES)
    neigh = summed / jnp.maximum(cnt, 1.0)[:, None]
    # expmap back onto the Poincare ball
    new_x = _expmap0(neigh)
    return new_x

if __name__ == "__main__":
    import jax
    _d = setup_inputs()
    print(jax.jit(kernel)(*tuple(_d.values())))

</pallas_src>

<mosaic_0001>
#map = affine_map<(d0, d1) -> (0, 0)>
#map1 = affine_map<(d0, d1) -> (0, 0, 0)>
module attributes {stable_mosaic.version = 14 : i64} {
  func.func @_sc_body(%arg0: i32, %arg1: i32, %arg2: memref<10000x144xf32, #tpu.memory_space<hbm>>, %arg3: memref<32x80x128xi32, #tpu.memory_space<hbm>>, %arg4: memref<32x80x128xi32, #tpu.memory_space<hbm>>, %arg5: memref<10112x144xf32, #tpu.memory_space<hbm>>, %arg6: memref<2x10112x144xf32, #tpu.memory_space<hbm>>, %arg7: memref<10112x144xf32, #tpu.memory_space<vmem_shared>>, %arg8: memref<8x128xi32, #tpu.memory_space<vmem>>, %arg9: memref<8x128xi32, #tpu.memory_space<vmem>>, %arg10: memref<128x144xf32, #tpu.memory_space<vmem>>, %arg11: memref<128x144xf32, #tpu.memory_space<vmem>>, %arg12: memref<!tpu.dma_semaphore, #tpu.memory_space<semaphore_mem>>, %arg13: memref<!tpu.dma_semaphore, #tpu.memory_space<semaphore_mem>>, %arg14: memref<!tpu.dma_semaphore, #tpu.memory_space<semaphore_mem>>, %arg15: memref<!tpu.dma_semaphore, #tpu.memory_space<semaphore_mem>>) attributes {dimension_semantics = [#tpu.dimension_semantics<core_parallel>, #tpu.dimension_semantics<subcore_parallel>], iteration_bounds = array<i64: 2, 16>, scalar_prefetch = 0 : i64, scratch_operands = 9 : i64, tpu.core_type = #tpu.core_type<sc_vector_subcore>, window_params = [{transform_indices = #map}, {transform_indices = #map1}, {transform_indices = #map1}, {transform_indices = #map}, {transform_indices = #map1}]} {
    %mul3A = arith.constant 16 : i32
    %mul3A_0 = arith.muli %arg0, %mul3A : i32
    %add3A = arith.addi %mul3A_0, %arg1 : i32
    %mul3A_1 = arith.constant 632 : i32
    %mul3A_2 = arith.muli %arg1, %mul3A_1 : i32
    %mul3A_3 = arith.constant 632 : i32
    %mul3A_4 = arith.muli %arg1, %mul3A_3 : i32
    "tpu.region"() ({
      %run_scoped3A = tpu.sem_alloc : memref<!tpu.dma_semaphore, #tpu.memory_space<semaphore_mem>>
      %dma_start3A = arith.constant 0 : i32
      %dma_start3A_14 = tpu.memref_slice %arg7[%mul3A_4, %dma_start3A] : memref<10112x144xf32, #tpu.memory_space<vmem_shared>> -> memref<632x144xf32, #tpu.memory_space<vmem_shared>>
      %dma_start3A_15 = arith.constant 0 : i32
      %dma_start3A_16 = tpu.memref_slice %arg5[%mul3A_2, %dma_start3A_15] : memref<10112x144xf32, #tpu.memory_space<hbm>> -> memref<632x144xf32, #tpu.memory_space<hbm>>
      tpu.enqueue_dma source(%dma_start3A_16 : memref<632x144xf32, #tpu.memory_space<hbm>>) target(%dma_start3A_14 : memref<632x144xf32, #tpu.memory_space<vmem_shared>>) target_semaphore(%run_scoped3A : memref<!tpu.dma_semaphore, #tpu.memory_space<semaphore_mem>>)
      %dma_wait3A = arith.constant 0 : i32
      %dma_wait3A_17 = tpu.memref_slice %arg7[%mul3A_4, %dma_wait3A] : memref<10112x144xf32, #tpu.memory_space<vmem_shared>> -> memref<632x144xf32, #tpu.memory_space<vmem_shared>>
      %dma_wait3A_18 = arith.constant 0 : i32
      %dma_wait3A_19 = tpu.memref_slice %arg5[%mul3A_2, %dma_wait3A_18] : memref<10112x144xf32, #tpu.memory_space<hbm>> -> memref<632x144xf32, #tpu.memory_space<hbm>>
      tpu.wait_dma2 semaphore(%run_scoped3A : memref<!tpu.dma_semaphore, #tpu.memory_space<semaphore_mem>>) src(%dma_wait3A_19 : memref<632x144xf32, #tpu.memory_space<hbm>>) dst(%dma_wait3A_17 : memref<632x144xf32, #tpu.memory_space<vmem_shared>>)
      tpu.yield
    }) : () -> ()
    %barrier3A = arith.constant 0 : index
    tpu.barrier barrier_id(%barrier3A)
    %scan3A = arith.constant 0 : i32
    %scan3A_5 = arith.constant 10 : i32
    %scan3A_6 = arith.addi %scan3A, %scan3A_5 : i32
    %scan3A_7 = arith.constant 1 : i32
    scf.for %scan3A_14 = %scan3A to %scan3A_6 step %scan3A_7  : i32 {
      %mul3A_15 = arith.constant 1 : i32
      %mul3A_16 = arith.muli %scan3A_14, %mul3A_15 : i32
      %add3A_17 = arith.constant 0 : i32
      %add3A_18 = arith.addi %add3A_17, %mul3A_16 : i32
      %mul3A_19 = arith.constant 8 : i32
      %mul3A_20 = arith.muli %add3A_18, %mul3A_19 : i32
      "tpu.region"() ({
        %run_scoped3A = tpu.sem_alloc : memref<!tpu.dma_semaphore, #tpu.memory_space<semaphore_mem>>
        %dma_start3A_133 = arith.constant 0 : i32
        %dma_start3A_134 = tpu.memref_slice %arg3[%add3A, %mul3A_20, %dma_start3A_133] : memref<32x80x128xi32, #tpu.memory_space<hbm>> -> memref<1x8x128xi32, #tpu.memory_space<hbm>>
        %dma_start3A_135 = tpu.memref_squeeze %dma_start3A_134 : memref<1x8x128xi32, #tpu.memory_space<hbm>> -> memref<8x128xi32, #tpu.memory_space<hbm>>
        %dma_start3A_136 = arith.constant 0 : i32
        %dma_start3A_137 = tpu.memref_slice %arg3[%add3A, %mul3A_20, %dma_start3A_136] : memref<32x80x128xi32, #tpu.memory_space<hbm>> -> memref<1x8x128xi32, #tpu.memory_space<hbm>>
        %dma_start3A_138 = tpu.memref_squeeze %dma_start3A_137 : memref<1x8x128xi32, #tpu.memory_space<hbm>> -> memref<8x128xi32, #tpu.memory_space<hbm>>
        tpu.enqueue_dma source(%dma_start3A_138 : memref<8x128xi32, #tpu.memory_space<hbm>>) target(%arg8 : memref<8x128xi32, #tpu.memory_space<vmem>>) target_semaphore(%run_scoped3A : memref<!tpu.dma_semaphore, #tpu.memory_space<semaphore_mem>>)
        %dma_wait3A_139 = arith.constant 0 : i32
        %dma_wait3A_140 = tpu.memref_slice %arg3[%add3A, %mul3A_20, %dma_wait3A_139] : memref<32x80x128xi32, #tpu.memory_space<hbm>> -> memref<1x8x128xi32, #tpu.memory_space<hbm>>
        %dma_wait3A_141 = tpu.memref_squeeze %dma_wait3A_140 : memref<1x8x128xi32, #tpu.memory_space<hbm>> -> memref<8x128xi32, #tpu.memory_space<hbm>>
        %dma_wait3A_142 = arith.constant 0 : i32
        %dma_wait3A_143 = tpu.memref_slice %arg3[%add3A, %mul3A_20, %dma_wait3A_142] : memref<32x80x128xi32, #tpu.memory_space<hbm>> -> memref<1x8x128xi32, #tpu.memory_space<hbm>>
        %dma_wait3A_144 = tpu.memref_squeeze %dma_wait3A_143 : memref<1x8x128xi32, #tpu.memory_space<hbm>> -> memref<8x128xi32, #tpu.memory_space<hbm>>
        tpu.wait_dma2 semaphore(%run_scoped3A : memref<!tpu.dma_semaphore, #tpu.memory_space<semaphore_mem>>) src(%dma_wait3A_144 : memref<8x128xi32, #tpu.memory_space<hbm>>) dst(%arg8 : memref<8x128xi32, #tpu.memory_space<vmem>>)
        tpu.yield
      }) : () -> ()
      %mul3A_21 = arith.constant 8 : i32
      %mul3A_22 = arith.muli %add3A_18, %mul3A_21 : i32
      "tpu.region"() ({
        %run_scoped3A = tpu.sem_alloc : memref<!tpu.dma_semaphore, #tpu.memory_space<semaphore_mem>>
        %dma_start3A_133 = arith.constant 0 : i32
        %dma_start3A_134 = tpu.memref_slice %arg4[%add3A, %mul3A_22, %dma_start3A_133] : memref<32x80x128xi32, #tpu.memory_space<hbm>> -> memref<1x8x128xi32, #tpu.memory_space<hbm>>
        %dma_start3A_135 = tpu.memref_squeeze %dma_start3A_134 : memref<1x8x128xi32, #tpu.memory_space<hbm>> -> memref<8x128xi32, #tpu.memory_space<hbm>>
        %dma_start3A_136 = arith.constant 0 : i32
        %dma_start3A_137 = tpu.memref_slice %arg4[%add3A, %mul3A_22, %dma_start3A_136] : memref<32x80x128xi32, #tpu.memory_space<hbm>> -> memref<1x8x128xi32, #tpu.memory_space<hbm>>
        %dma_start3A_138 = tpu.memref_squeeze %dma_start3A_137 : memref<1x8x128xi32, #tpu.memory_space<hbm>> -> memref<8x128xi32, #tpu.memory_space<hbm>>
        tpu.enqueue_dma source(%dma_start3A_138 : memref<8x128xi32, #tpu.memory_space<hbm>>) target(%arg9 : memref<8x128xi32, #tpu.memory_space<vmem>>) target_semaphore(%run_scoped3A : memref<!tpu.dma_semaphore, #tpu.memory_space<semaphore_mem>>)
        %dma_wait3A_139 = arith.constant 0 : i32
        %dma_wait3A_140 = tpu.memref_slice %arg4[%add3A, %mul3A_22, %dma_wait3A_139] : memref<32x80x128xi32, #tpu.memory_space<hbm>> -> memref<1x8x128xi32, #tpu.memory_space<hbm>>
        %dma_wait3A_141 = tpu.memref_squeeze %dma_wait3A_140 : memref<1x8x128xi32, #tpu.memory_space<hbm>> -> memref<8x128xi32, #tpu.memory_space<hbm>>
        %dma_wait3A_142 = arith.constant 0 : i32
        %dma_wait3A_143 = tpu.memref_slice %arg4[%add3A, %mul3A_22, %dma_wait3A_142] : memref<32x80x128xi32, #tpu.memory_space<hbm>> -> memref<1x8x128xi32, #tpu.memory_space<hbm>>
        %dma_wait3A_144 = tpu.memref_squeeze %dma_wait3A_143 : memref<1x8x128xi32, #tpu.memory_space<hbm>> -> memref<8x128xi32, #tpu.memory_space<hbm>>
        tpu.wait_dma2 semaphore(%run_scoped3A : memref<!tpu.dma_semaphore, #tpu.memory_space<semaphore_mem>>) src(%dma_wait3A_144 : memref<8x128xi32, #tpu.memory_space<hbm>>) dst(%arg9 : memref<8x128xi32, #tpu.memory_space<vmem>>)
        tpu.yield
      }) : () -> ()
      %dma_start3A = arith.constant 0 : i32
      %dma_start3A_23 = arith.constant 0 : i32
      %dma_start3A_24 = tpu.memref_slice %arg8[%dma_start3A, %dma_start3A_23] : memref<8x128xi32, #tpu.memory_space<vmem>> -> memref<1x128xi32, #tpu.memory_space<vmem>>
      %dma_start3A_25 = tpu.memref_squeeze %dma_start3A_24 : memref<1x128xi32, #tpu.memory_space<vmem>> -> memref<128xi32, #tpu.memory_space<vmem>>
      %dma_start3A_26 = arith.constant 0 : i32
      %dma_start3A_27 = arith.constant 0 : i32
      %dma_start3A_28 = tpu.memref_slice %arg2[%dma_start3A_26, %dma_start3A_27] : memref<10000x144xf32, #tpu.memory_space<hbm>> -> memref<10000x144xf32, #tpu.memory_space<hbm>>
      tpu.enqueue_indirect_dma source(%dma_start3A_28 : memref<10000x144xf32, #tpu.memory_space<hbm>>) target(%arg10 : memref<128x144xf32, #tpu.memory_space<vmem>>) offsets(%dma_start3A_25 : memref<128xi32, #tpu.memory_space<vmem>>) semaphore(%arg12 : memref<!tpu.dma_semaphore, #tpu.memory_space<semaphore_mem>>)
      %dma_wait3A = arith.constant 0 : i32
      %dma_wait3A_29 = arith.constant 0 : i32
      %dma_wait3A_30 = tpu.memref_slice %arg8[%dma_wait3A, %dma_wait3A_29] : memref<8x128xi32, #tpu.memory_space<vmem>> -> memref<1x128xi32, #tpu.memory_space<vmem>>
      %dma_wait3A_31 = tpu.memref_squeeze %dma_wait3A_30 : memref<1x128xi32, #tpu.memory_space<vmem>> -> memref<128xi32, #tpu.memory_space<vmem>>
      %dma_wait3A_32 = arith.constant 0 : i32
      %dma_wait3A_33 = arith.constant 0 : i32
      %dma_wait3A_34 = tpu.memref_slice %arg2[%dma_wait3A_32, %dma_wait3A_33] : memref<10000x144xf32, #tpu.memory_space<hbm>> -> memref<10000x144xf32, #tpu.memory_space<hbm>>
      tpu.wait_indirect_dma semaphore(%arg12 : memref<!tpu.dma_semaphore, #tpu.memory_space<semaphore_mem>>) src(%dma_wait3A_34 : memref<10000x144xf32, #tpu.memory_space<hbm>>) dst(%arg10 : memref<128x144xf32, #tpu.memory_space<vmem>>)
      %dma_start3A_35 = arith.constant 1 : i32
      %dma_start3A_36 = arith.constant 0 : i32
      %dma_start3A_37 = tpu.memref_slice %arg8[%dma_start3A_35, %dma_start3A_36] : memref<8x128xi32, #tpu.memory_space<vmem>> -> memref<1x128xi32, #tpu.memory_space<vmem>>
      %dma_start3A_38 = tpu.memref_squeeze %dma_start3A_37 : memref<1x128xi32, #tpu.memory_space<vmem>> -> memref<128xi32, #tpu.memory_space<vmem>>
      %dma_start3A_39 = arith.constant 0 : i32
      %dma_start3A_40 = arith.constant 0 : i32
      %dma_start3A_41 = tpu.memref_slice %arg2[%dma_start3A_39, %dma_start3A_40] : memref<10000x144xf32, #tpu.memory_space<hbm>> -> memref<10000x144xf32, #tpu.memory_space<hbm>>
      tpu.enqueue_indirect_dma source(%dma_start3A_41 : memref<10000x144xf32, #tpu.memory_space<hbm>>) target(%arg11 : memref<128x144xf32, #tpu.memory_space<vmem>>) offsets(%dma_start3A_38 : memref<128xi32, #tpu.memory_space<vmem>>) semaphore(%arg13 : memref<!tpu.dma_semaphore, #tpu.memory_space<semaphore_mem>>)
      %dma_wait3A_42 = arith.constant 1 : i32
      %dma_wait3A_43 = arith.constant 0 : i32
      %dma_wait3A_44 = tpu.memref_slice %arg8[%dma_wait3A_42, %dma_wait3A_43] : memref<8x128xi32, #tpu.memory_space<vmem>> -> memref<1x128xi32, #tpu.memory_space<vmem>>
      %dma_wait3A_45 = tpu.memref_squeeze %dma_wait3A_44 : memref<1x128xi32, #tpu.memory_space<vmem>> -> memref<128xi32, #tpu.memory_space<vmem>>
      %dma_wait3A_46 = arith.constant 0 : i32
      %dma_wait3A_47 = arith.constant 0 : i32
      %dma_wait3A_48 = tpu.memref_slice %arg2[%dma_wait3A_46, %dma_wait3A_47] : memref<10000x144xf32, #tpu.memory_space<hbm>> -> memref<10000x144xf32, #tpu.memory_space<hbm>>
      tpu.wait_indirect_dma semaphore(%arg13 : memref<!tpu.dma_semaphore, #tpu.memory_space<semaphore_mem>>) src(%dma_wait3A_48 : memref<10000x144xf32, #tpu.memory_space<hbm>>) dst(%arg11 : memref<128x144xf32, #tpu.memory_space<vmem>>)
      %dma_start3A_49 = arith.constant 2 : i32
      %dma_start3A_50 = arith.constant 0 : i32
      %dma_start3A_51 = tpu.memref_slice %arg8[%dma_start3A_49, %dma_start3A_50] : memref<8x128xi32, #tpu.memory_space<vmem>> -> memref<1x128xi32, #tpu.memory_space<vmem>>
      %dma_start3A_52 = tpu.memref_squeeze %dma_start3A_51 : memref<1x128xi32, #tpu.memory_space<vmem>> -> memref<128xi32, #tpu.memory_space<vmem>>
      %dma_start3A_53 = arith.constant 0 : i32
      %dma_start3A_54 = arith.constant 0 : i32
      %dma_start3A_55 = tpu.memref_slice %arg2[%dma_start3A_53, %dma_start3A_54] : memref<10000x144xf32, #tpu.memory_space<hbm>> -> memref<10000x144xf32, #tpu.memory_space<hbm>>
      tpu.enqueue_indirect_dma source(%dma_start3A_55 : memref<10000x144xf32, #tpu.memory_space<hbm>>) target(%arg10 : memref<128x144xf32, #tpu.memory_space<vmem>>) offsets(%dma_start3A_52 : memref<128xi32, #tpu.memory_space<vmem>>) semaphore(%arg12 : memref<!tpu.dma_semaphore, #tpu.memory_space<semaphore_mem>>)
      %dma_wait3A_56 = arith.constant 2 : i32
      %dma_wait3A_57 = arith.constant 0 : i32
      %dma_wait3A_58 = tpu.memref_slice %arg8[%dma_wait3A_56, %dma_wait3A_57] : memref<8x128xi32, #tpu.memory_space<vmem>> -> memref<1x128xi32, #tpu.memory_space<vmem>>
      %dma_wait3A_59 = tpu.memref_squeeze %dma_wait3A_58 : memref<1x128xi32, #tpu.memory_space<vmem>> -> memref<128xi32, #tpu.memory_space<vmem>>
      %dma_wait3A_60 = arith.constant 0 : i32
      %dma_wait3A_61 = arith.constant 0 : i32
      %dma_wait3A_62 = tpu.memref_slice %arg2[%dma_wait3A_60, %dma_wait3A_61] : memref<10000x144xf32, #tpu.memory_space<hbm>> -> memref<10000x144xf32, #tpu.memory_space<hbm>>
      tpu.wait_indirect_dma semaphore(%arg12 : memref<!tpu.dma_semaphore, #tpu.memory_space<semaphore_mem>>) src(%dma_wait3A_62 : memref<10000x144xf32, #tpu.memory_space<hbm>>) dst(%arg10 : memref<128x144xf32, #tpu.memory_space<vmem>>)
      %dma_start3A_63 = arith.constant 3 : i32
      %dma_start3A_64 = arith.constant 0 : i32
      %dma_start3A_65 = tpu.memref_slice %arg8[%dma_start3A_63, %dma_start3A_64] : memref<8x128xi32, #tpu.memory_space<vmem>> -> memref<1x128xi32, #tpu.memory_space<vmem>>
      %dma_start3A_66 = tpu.memref_squeeze %dma_start3A_65 : memref<1x128xi32, #tpu.memory_space<vmem>> -> memref<128xi32, #tpu.memory_space<vmem>>
      %dma_start3A_67 = arith.constant 0 : i32
      %dma_start3A_68 = arith.constant 0 : i32
      %dma_start3A_69 = tpu.memref_slice %arg2[%dma_start3A_67, %dma_start3A_68] : memref<10000x144xf32, #tpu.memory_space<hbm>> -> memref<10000x144xf32, #tpu.memory_space<hbm>>
      tpu.enqueue_indirect_dma source(%dma_start3A_69 : memref<10000x144xf32, #tpu.memory_space<hbm>>) target(%arg11 : memref<128x144xf32, #tpu.memory_space<vmem>>) offsets(%dma_start3A_66 : memref<128xi32, #tpu.memory_space<vmem>>) semaphore(%arg13 : memref<!tpu.dma_semaphore, #tpu.memory_space<semaphore_mem>>)
      %dma_wait3A_70 = arith.constant 3 : i32
      %dma_wait3A_71 = arith.constant 0 : i32
      %dma_wait3A_72 = tpu.memref_slice %arg8[%dma_wait3A_70, %dma_wait3A_71] : memref<8x128xi32, #tpu.memory_space<vmem>> -> memref<1x128xi32, #tpu.memory_space<vmem>>
      %dma_wait3A_73 = tpu.memref_squeeze %dma_wait3A_72 : memref<1x128xi32, #tpu.memory_space<vmem>> -> memref<128xi32, #tpu.memory_space<vmem>>
      %dma_wait3A_74 = arith.constant 0 : i32
      %dma_wait3A_75 = arith.constant 0 : i32
      %dma_wait3A_76 = tpu.memref_slice %arg2[%dma_wait3A_74, %dma_wait3A_75] : memref<10000x144xf32, #tpu.memory_space<hbm>> -> memref<10000x144xf32, #tpu.memory_space<hbm>>
      tpu.wait_indirect_dma semaphore(%arg13 : memref<!tpu.dma_semaphore, #tpu.memory_space<semaphore_mem>>) src(%dma_wait3A_76 : memref<10000x144xf32, #tpu.memory_space<hbm>>) dst(%arg11 : memref<128x144xf32, #tpu.memory_space<vmem>>)
      %dma_start3A_77 = arith.constant 4 : i32
      %dma_start3A_78 = arith.constant 0 : i32
      %dma_start3A_79 = tpu.memref_slice %arg8[%dma_start3A_77, %dma_start3A_78] : memref<8x128xi32, #tpu.memory_space<vmem>> -> memref<1x128xi32, #tpu.memory_space<vmem>>
      %dma_start3A_80 = tpu.memref_squeeze %dma_start3A_79 : memref<1x128xi32, #tpu.memory_space<vmem>> -> memref<128xi32, #tpu.memory_space<vmem>>
      %dma_start3A_81 = arith.constant 0 : i32
      %dma_start3A_82 = arith.constant 0 : i32
      %dma_start3A_83 = tpu.memref_slice %arg2[%dma_start3A_81, %dma_start3A_82] : memref<10000x144xf32, #tpu.memory_space<hbm>> -> memref<10000x144xf32, #tpu.memory_space<hbm>>
      tpu.enqueue_indirect_dma source(%dma_start3A_83 : memref<10000x144xf32, #tpu.memory_space<hbm>>) target(%arg10 : memref<128x144xf32, #tpu.memory_space<vmem>>) offsets(%dma_start3A_80 : memref<128xi32, #tpu.memory_space<vmem>>) semaphore(%arg12 : memref<!tpu.dma_semaphore, #tpu.memory_space<semaphore_mem>>)
      %dma_wait3A_84 = arith.constant 4 : i32
      %dma_wait3A_85 = arith.constant 0 : i32
      %dma_wait3A_86 = tpu.memref_slice %arg8[%dma_wait3A_84, %dma_wait3A_85] : memref<8x128xi32, #tpu.memory_space<vmem>> -> memref<1x128xi32, #tpu.memory_space<vmem>>
      %dma_wait3A_87 = tpu.memref_squeeze %dma_wait3A_86 : memref<1x128xi32, #tpu.memory_space<vmem>> -> memref<128xi32, #tpu.memory_space<vmem>>
      %dma_wait3A_88 = arith.constant 0 : i32
      %dma_wait3A_89 = arith.constant 0 : i32
      %dma_wait3A_90 = tpu.memref_slice %arg2[%dma_wait3A_88, %dma_wait3A_89] : memref<10000x144xf32, #tpu.memory_space<hbm>> -> memref<10000x144xf32, #tpu.memory_space<hbm>>
      tpu.wait_indirect_dma semaphore(%arg12 : memref<!tpu.dma_semaphore, #tpu.memory_space<semaphore_mem>>) src(%dma_wait3A_90 : memref<10000x144xf32, #tpu.memory_space<hbm>>) dst(%arg10 : memref<128x144xf32, #tpu.memory_space<vmem>>)
      %dma_start3A_91 = arith.constant 5 : i32
      %dma_start3A_92 = arith.constant 0 : i32
      %dma_start3A_93 = tpu.memref_slice %arg8[%dma_start3A_91, %dma_start3A_92] : memref<8x128xi32, #tpu.memory_space<vmem>> -> memref<1x128xi32, #tpu.memory_space<vmem>>
      %dma_start3A_94 = tpu.memref_squeeze %dma_start3A_93 : memref<1x128xi32, #tpu.memory_space<vmem>> -> memref<128xi32, #tpu.memory_space<vmem>>
      %dma_start3A_95 = arith.constant 0 : i32
      %dma_start3A_96 = arith.constant 0 : i32
      %dma_start3A_97 = tpu.memref_slice %arg2[%dma_start3A_95, %dma_start3A_96] : memref<10000x144xf32, #tpu.memory_space<hbm>> -> memref<10000x144xf32, #tpu.memory_space<hbm>>
      tpu.enqueue_indirect_dma source(%dma_start3A_97 : memref<10000x144xf32, #tpu.memory_space<hbm>>) target(%arg11 : memref<128x144xf32, #tpu.memory_space<vmem>>) offsets(%dma_start3A_94 : memref<128xi32, #tpu.memory_space<vmem>>) semaphore(%arg13 : memref<!tpu.dma_semaphore, #tpu.memory_space<semaphore_mem>>)
      %dma_wait3A_98 = arith.constant 5 : i32
      %dma_wait3A_99 = arith.constant 0 : i32
      %dma_wait3A_100 = tpu.memref_slice %arg8[%dma_wait3A_98, %dma_wait3A_99] : memref<8x128xi32, #tpu.memory_space<vmem>> -> memref<1x128xi32, #tpu.memory_space<vmem>>
      %dma_wait3A_101 = tpu.memref_squeeze %dma_wait3A_100 : memref<1x128xi32, #tpu.memory_space<vmem>> -> memref<128xi32, #tpu.memory_space<vmem>>
      %dma_wait3A_102 = arith.constant 0 : i32
      %dma_wait3A_103 = arith.constant 0 : i32
      %dma_wait3A_104 = tpu.memref_slice %arg2[%dma_wait3A_102, %dma_wait3A_103] : memref<10000x144xf32, #tpu.memory_space<hbm>> -> memref<10000x144xf32, #tpu.memory_space<hbm>>
      tpu.wait_indirect_dma semaphore(%arg13 : memref<!tpu.dma_semaphore, #tpu.memory_space<semaphore_mem>>) src(%dma_wait3A_104 : memref<10000x144xf32, #tpu.memory_space<hbm>>) dst(%arg11 : memref<128x144xf32, #tpu.memory_space<vmem>>)
      %dma_start3A_105 = arith.constant 6 : i32
      %dma_start3A_106 = arith.constant 0 : i32
      %dma_start3A_107 = tpu.memref_slice %arg8[%dma_start3A_105, %dma_start3A_106] : memref<8x128xi32, #tpu.memory_space<vmem>> -> memref<1x128xi32, #tpu.memory_space<vmem>>
      %dma_start3A_108 = tpu.memref_squeeze %dma_start3A_107 : memref<1x128xi32, #tpu.memory_space<vmem>> -> memref<128xi32, #tpu.memory_space<vmem>>
      %dma_start3A_109 = arith.constant 0 : i32
      %dma_start3A_110 = arith.constant 0 : i32
      %dma_start3A_111 = tpu.memref_slice %arg2[%dma_start3A_109, %dma_start3A_110] : memref<10000x144xf32, #tpu.memory_space<hbm>> -> memref<10000x144xf32, #tpu.memory_space<hbm>>
      tpu.enqueue_indirect_dma source(%dma_start3A_111 : memref<10000x144xf32, #tpu.memory_space<hbm>>) target(%arg10 : memref<128x144xf32, #tpu.memory_space<vmem>>) offsets(%dma_start3A_108 : memref<128xi32, #tpu.memory_space<vmem>>) semaphore(%arg12 : memref<!tpu.dma_semaphore, #tpu.memory_space<semaphore_mem>>)
      %dma_wait3A_112 = arith.constant 6 : i32
      %dma_wait3A_113 = arith.constant 0 : i32
      %dma_wait3A_114 = tpu.memref_slice %arg8[%dma_wait3A_112, %dma_wait3A_113] : memref<8x128xi32, #tpu.memory_space<vmem>> -> memref<1x128xi32, #tpu.memory_space<vmem>>
      %dma_wait3A_115 = tpu.memref_squeeze %dma_wait3A_114 : memref<1x128xi32, #tpu.memory_space<vmem>> -> memref<128xi32, #tpu.memory_space<vmem>>
      %dma_wait3A_116 = arith.constant 0 : i32
      %dma_wait3A_117 = arith.constant 0 : i32
      %dma_wait3A_118 = tpu.memref_slice %arg2[%dma_wait3A_116, %dma_wait3A_117] : memref<10000x144xf32, #tpu.memory_space<hbm>> -> memref<10000x144xf32, #tpu.memory_space<hbm>>
      tpu.wait_indirect_dma semaphore(%arg12 : memref<!tpu.dma_semaphore, #tpu.memory_space<semaphore_mem>>) src(%dma_wait3A_118 : memref<10000x144xf32, #tpu.memory_space<hbm>>) dst(%arg10 : memref<128x144xf32, #tpu.memory_space<vmem>>)
      %dma_start3A_119 = arith.constant 7 : i32
      %dma_start3A_120 = arith.constant 0 : i32
      %dma_start3A_121 = tpu.memref_slice %arg8[%dma_start3A_119, %dma_start3A_120] : memref<8x128xi32, #tpu.memory_space<vmem>> -> memref<1x128xi32, #tpu.memory_space<vmem>>
      %dma_start3A_122 = tpu.memref_squeeze %dma_start3A_121 : memref<1x128xi32, #tpu.memory_space<vmem>> -> memref<128xi32, #tpu.memory_space<vmem>>
      %dma_start3A_123 = arith.constant 0 : i32
      %dma_start3A_124 = arith.constant 0 : i32
      %dma_start3A_125 = tpu.memref_slice %arg2[%dma_start3A_123, %dma_start3A_124] : memref<10000x144xf32, #tpu.memory_space<hbm>> -> memref<10000x144xf32, #tpu.memory_space<hbm>>
      tpu.enqueue_indirect_dma source(%dma_start3A_125 : memref<10000x144xf32, #tpu.memory_space<hbm>>) target(%arg11 : memref<128x144xf32, #tpu.memory_space<vmem>>) offsets(%dma_start3A_122 : memref<128xi32, #tpu.memory_space<vmem>>) semaphore(%arg13 : memref<!tpu.dma_semaphore, #tpu.memory_space<semaphore_mem>>)
      %dma_wait3A_126 = arith.constant 7 : i32
      %dma_wait3A_127 = arith.constant 0 : i32
      %dma_wait3A_128 = tpu.memref_slice %arg8[%dma_wait3A_126, %dma_wait3A_127] : memref<8x128xi32, #tpu.memory_space<vmem>> -> memref<1x128xi32, #tpu.memory_space<vmem>>
      %dma_wait3A_129 = tpu.memref_squeeze %dma_wait3A_128 : memref<1x128xi32, #tpu.memory_space<vmem>> -> memref<128xi32, #tpu.memory_space<vmem>>
      %dma_wait3A_130 = arith.constant 0 : i32
      %dma_wait3A_131 = arith.constant 0 : i32
      %dma_wait3A_132 = tpu.memref_slice %arg2[%dma_wait3A_130, %dma_wait3A_131] : memref<10000x144xf32, #tpu.memory_space<hbm>> -> memref<10000x144xf32, #tpu.memory_space<hbm>>
      tpu.wait_indirect_dma semaphore(%arg13 : memref<!tpu.dma_semaphore, #tpu.memory_space<semaphore_mem>>) src(%dma_wait3A_132 : memref<10000x144xf32, #tpu.memory_space<hbm>>) dst(%arg11 : memref<128x144xf32, #tpu.memory_space<vmem>>)
    }
    %scan3A_8 = arith.constant 10 : i32
    %barrier3A_9 = arith.constant 0 : index
    tpu.barrier barrier_id(%barrier3A_9)
    %mul3A_10 = arith.constant 632 : i32
    %mul3A_11 = arith.muli %arg1, %mul3A_10 : i32
    %mul3A_12 = arith.constant 632 : i32
    %mul3A_13 = arith.muli %arg1, %mul3A_12 : i32
    "tpu.region"() ({
      %run_scoped3A = tpu.sem_alloc : memref<!tpu.dma_semaphore, #tpu.memory_space<semaphore_mem>>
      %dma_start3A = arith.constant 0 : i32
      %dma_start3A_14 = tpu.memref_slice %arg6[%arg0, %mul3A_13, %dma_start3A] : memref<2x10112x144xf32, #tpu.memory_space<hbm>> -> memref<1x632x144xf32, #tpu.memory_space<hbm>>
      %dma_start3A_15 = tpu.memref_squeeze %dma_start3A_14 : memref<1x632x144xf32, #tpu.memory_space<hbm>> -> memref<632x144xf32, #tpu.memory_space<hbm>>
      %dma_start3A_16 = arith.constant 0 : i32
      %dma_start3A_17 = tpu.memref_slice %arg7[%mul3A_11, %dma_start3A_16] : memref<10112x144xf32, #tpu.memory_space<vmem_shared>> -> memref<632x144xf32, #tpu.memory_space<vmem_shared>>
      tpu.enqueue_dma source(%dma_start3A_17 : memref<632x144xf32, #tpu.memory_space<vmem_shared>>) target(%dma_start3A_15 : memref<632x144xf32, #tpu.memory_space<hbm>>) target_semaphore(%run_scoped3A : memref<!tpu.dma_semaphore, #tpu.memory_space<semaphore_mem>>)
      %dma_wait3A = arith.constant 0 : i32
      %dma_wait3A_18 = tpu.memref_slice %arg6[%arg0, %mul3A_13, %dma_wait3A] : memref<2x10112x144xf32, #tpu.memory_space<hbm>> -> memref<1x632x144xf32, #tpu.memory_space<hbm>>
      %dma_wait3A_19 = tpu.memref_squeeze %dma_wait3A_18 : memref<1x632x144xf32, #tpu.memory_space<hbm>> -> memref<632x144xf32, #tpu.memory_space<hbm>>
      %dma_wait3A_20 = arith.constant 0 : i32
      %dma_wait3A_21 = tpu.memref_slice %arg7[%mul3A_11, %dma_wait3A_20] : memref<10112x144xf32, #tpu.memory_space<vmem_shared>> -> memref<632x144xf32, #tpu.memory_space<vmem_shared>>
      tpu.wait_dma2 semaphore(%run_scoped3A : memref<!tpu.dma_semaphore, #tpu.memory_space<semaphore_mem>>) src(%dma_wait3A_21 : memref<632x144xf32, #tpu.memory_space<vmem_shared>>) dst(%dma_wait3A_19 : memref<632x144xf32, #tpu.memory_space<hbm>>)
      tpu.yield
    }) : () -> ()
    return
  }
}

module attributes {stable_mosaic.version = 14 : i64} {
  func.func @_tf_body(%arg0: i32, %arg1: memref<1000x128xf32, #tpu.memory_space<vmem>>, %arg2: memref<128x128xf32, #tpu.memory_space<vmem>>, %arg3: memref<1x128xf32, #tpu.memory_space<vmem>>, %arg4: memref<1000x144xf32, #tpu.memory_space<vmem>>) attributes {dimension_semantics = [#tpu.dimension_semantics<arbitrary>], iteration_bounds = array<i64: 10>, scalar_prefetch = 0 : i64, scratch_operands = 0 : i64, tpu.core_type = #tpu.core_type<tc>, window_params = [{transform_indices = @transform_0, window_bounds = array<i64: 1000, 128>}, {pipeline_mode = #tpu.pipeline_mode<synchronous>, transform_indices = @transform_1, window_bounds = array<i64: 128, 128>}, {pipeline_mode = #tpu.pipeline_mode<synchronous>, transform_indices = @transform_2, window_bounds = array<i64: 1, 128>}, {transform_indices = @transform_3, window_bounds = array<i64: 1000, 144>}]} {
    %get3A = arith.constant 0 : index
    %get3A_0 = arith.constant 0 : index
    %get3A_1 = vector.load %arg1[%get3A, %get3A_0] : memref<1000x128xf32, #tpu.memory_space<vmem>>, vector<1000x128xf32>
    %mul3A = arith.mulf %get3A_1, %get3A_1 : vector<1000x128xf32>
    %reduce_sum3A = arith.constant dense<0.000000e+00> : vector<1000xf32>
    %reduce_sum3A_2 = vector.multi_reduction <add>, %mul3A, %reduce_sum3A [1] : vector<1000x128xf32> to vector<1000xf32>
    %broadcast_in_dim3A = vector.shape_cast %reduce_sum3A_2 : vector<1000xf32> to vector<1000x1xf32>
    %sqrt3A = math.sqrt %broadcast_in_dim3A : vector<1000x1xf32>
    %jit3A = arith.constant 1.000000e-10 : f32
    %jit3A_3 = arith.constant 0.999989986 : f32
    %max3A = vector.broadcast %jit3A : f32 to vector<1000x1xf32>
    %max3A_4 = arith.maximumf %max3A, %sqrt3A : vector<1000x1xf32>
    %min3A = vector.broadcast %jit3A_3 : f32 to vector<1000x1xf32>
    %min3A_5 = arith.minimumf %min3A, %max3A_4 : vector<1000x1xf32>
    %add3A = arith.constant 1.000000e+00 : f32
    %add3A_6 = vector.broadcast %add3A : f32 to vector<1000x1xf32>
    %add3A_7 = arith.addf %add3A_6, %min3A_5 : vector<1000x1xf32>
    %sub3A = arith.constant 1.000000e+00 : f32
    %sub3A_8 = vector.broadcast %sub3A : f32 to vector<1000x1xf32>
    %sub3A_9 = arith.subf %sub3A_8, %min3A_5 : vector<1000x1xf32>
    %div3A = arith.divf %add3A_7, %sub3A_9 : vector<1000x1xf32>
    %log3A = math.log %div3A : vector<1000x1xf32>
    %mul3A_10 = arith.constant 5.000000e-01 : f32
    %mul3A_11 = vector.broadcast %mul3A_10 : f32 to vector<1000x1xf32>
    %mul3A_12 = arith.mulf %mul3A_11, %log3A : vector<1000x1xf32>
    %max3A_13 = arith.constant 1.000000e-10 : f32
    %max3A_14 = vector.broadcast %max3A_13 : f32 to vector<1000x1xf32>
    %max3A_15 = arith.maximumf %sqrt3A, %max3A_14 : vector<1000x1xf32>
    %div3A_16 = arith.divf %mul3A_12, %max3A_15 : vector<1000x1xf32>
    %mul3A_17 = vector.broadcast %div3A_16 : vector<1000x1xf32> to vector<1000x128xf32>
    %mul3A_18 = arith.mulf %get3A_1, %mul3A_17 : vector<1000x128xf32>
    %get3A_19 = arith.constant 0 : index
    %get3A_20 = arith.constant 0 : index
    %get3A_21 = vector.load %arg2[%get3A_19, %get3A_20] : memref<128x128xf32, #tpu.memory_space<vmem>>, vector<128x128xf32>
    %dot_general3A = arith.constant dense<0.000000e+00> : vector<1000x128xf32>
    %dot_general3A_22 = tpu.matmul %mul3A_18, %get3A_21, %dot_general3A {dimension_numbers = #tpu.dot_dimension_numbers<[1], [1], [0], [0], [0, 0, 1, 0], [], []>, transpose_lhs_hint = false} : vector<1000x128xf32>, vector<128x128xf32>, vector<1000x128xf32> -> vector<1000x128xf32>
    %get3A_23 = arith.constant 0 : index
    %get3A_24 = arith.constant 0 : index
    %get3A_25 = vector.load %arg3[%get3A_23, %get3A_24] : memref<1x128xf32, #tpu.memory_space<vmem>>, vector<1x128xf32>
    %add3A_26 = vector.broadcast %get3A_25 : vector<1x128xf32> to vector<1000x128xf32>
    %add3A_27 = arith.addf %dot_general3A_22, %add3A_26 : vector<1000x128xf32>
    %swap3A = arith.constant 0 : index
    %swap3A_28 = arith.constant 0 : index
    %swap3A_29 = vector.load %arg4[%swap3A, %swap3A_28] : memref<1000x144xf32, #tpu.memory_space<vmem>>, vector<1000x128xf32>
    tpu.vector_store %arg4[%swap3A, %swap3A_28], %add3A_27 {strides = array<i32>} : memref<1000x144xf32, #tpu.memory_space<vmem>>, vector<1000x128xf32>,
    %iota3A = tpu.iota {dimensions = array<i32: 1>} : vector<1000x16xi32>
    %eq3A = arith.constant 0 : i32
    %eq3A_30 = vector.broadcast %eq3A : i32 to vector<1000x16xi32>
    %eq3A_31 = arith.cmpi eq, %iota3A, %eq3A_30 : vector<1000x16xi32>
    %jit3A_32 = arith.constant 1.000000e+00 : f32
    %jit3A_33 = arith.constant 0.000000e+00 : f32
    %broadcast_in_dim3A_34 = vector.broadcast %jit3A_32 : f32 to vector<1000x16xf32>
    %broadcast_in_dim3A_35 = vector.broadcast %jit3A_33 : f32 to vector<1000x16xf32>
    %select_n3A = arith.select %eq3A_31, %broadcast_in_dim3A_34, %broadcast_in_dim3A_35 : vector<1000x16xi1>, vector<1000x16xf32>
    %swap3A_36 = arith.constant 0 : index
    %swap3A_37 = arith.constant 128 : index
    %swap3A_38 = vector.load %arg4[%swap3A_36, %swap3A_37] : memref<1000x144xf32, #tpu.memory_space<vmem>>, vector<1000x16xf32>
    tpu.vector_store %arg4[%swap3A_36, %swap3A_37], %select_n3A {strides = array<i32>} : memref<1000x144xf32, #tpu.memory_space<vmem>>, vector<1000x16xf32>,
    return
  }
  func.func @transform_0(%arg0: i32) -> (i32, i32) {
    %c0_i32 = arith.constant 0 : i32
    %c0_i32_0 = arith.constant 0 : i32
    return %arg0, %c0_i32 : i32, i32
  }
  func.func @transform_1(%arg0: i32) -> (i32, i32) {
    %c0_i32 = arith.constant 0 : i32
    %c0_i32_0 = arith.constant 0 : i32
    %c0_i32_1 = arith.constant 0 : i32
    return %c0_i32, %c0_i32_0 : i32, i32
  }
  func.func @transform_2(%arg0: i32) -> (i32, i32) {
    %c0_i32 = arith.constant 0 : i32
    %c0_i32_0 = arith.constant 0 : i32
    %c0_i32_1 = arith.constant 0 : i32
    return %c0_i32, %c0_i32_0 : i32, i32
  }
  func.func @transform_3(%arg0: i32) -> (i32, i32) {
    %c0_i32 = arith.constant 0 : i32
    %c0_i32_0 = arith.constant 0 : i32
    return %arg0, %c0_i32 : i32, i32
  }
}

module attributes {stable_mosaic.version = 14 : i64} {
  func.func @_fin_body(%arg0: i32, %arg1: memref<2x1000x144xf32, #tpu.memory_space<vmem>>, %arg2: memref<1000x128xf32, #tpu.memory_space<vmem>>) attributes {dimension_semantics = [#tpu.dimension_semantics<arbitrary>], iteration_bounds = array<i64: 10>, scalar_prefetch = 0 : i64, scratch_operands = 0 : i64, tpu.core_type = #tpu.core_type<tc>, window_params = [{transform_indices = @transform_0, window_bounds = array<i64: 2, 1000, 144>}, {transform_indices = @transform_1, window_bounds = array<i64: 1000, 128>}]} {
    %get3A = arith.constant 0 : index
    %get3A_0 = arith.constant 0 : index
    %get3A_1 = arith.constant 0 : index
    %get3A_2 = vector.load %arg1[%get3A, %get3A_0, %get3A_1] : memref<2x1000x144xf32, #tpu.memory_space<vmem>>, vector<1x1000x144xf32>
    %get3A_3 = vector.shape_cast %get3A_2 : vector<1x1000x144xf32> to vector<1000x144xf32>
    %get3A_4 = arith.constant 1 : index
    %get3A_5 = arith.constant 0 : index
    %get3A_6 = arith.constant 0 : index
    %get3A_7 = vector.load %arg1[%get3A_4, %get3A_5, %get3A_6] : memref<2x1000x144xf32, #tpu.memory_space<vmem>>, vector<1x1000x144xf32>
    %get3A_8 = vector.shape_cast %get3A_7 : vector<1x1000x144xf32> to vector<1000x144xf32>
    %add3A = arith.addf %get3A_3, %get3A_8 : vector<1000x144xf32>
    %slice3A = vector.extract_strided_slice %add3A {offsets = [0, 128], sizes = [1000, 1], strides = [1, 1]} : vector<1000x144xf32> to vector<1000x1xf32>
    %slice3A_9 = vector.extract_strided_slice %add3A {offsets = [0, 0], sizes = [1000, 128], strides = [1, 1]} : vector<1000x144xf32> to vector<1000x128xf32>
    %max3A = arith.constant 1.000000e+00 : f32
    %max3A_10 = vector.broadcast %max3A : f32 to vector<1000x1xf32>
    %max3A_11 = arith.maximumf %slice3A, %max3A_10 : vector<1000x1xf32>
    %div3A = vector.broadcast %max3A_11 : vector<1000x1xf32> to vector<1000x128xf32>
    %div3A_12 = arith.divf %slice3A_9, %div3A : vector<1000x128xf32>
    %mul3A = arith.mulf %div3A_12, %div3A_12 : vector<1000x128xf32>
    %reduce_sum3A = arith.constant dense<0.000000e+00> : vector<1000xf32>
    %reduce_sum3A_13 = vector.multi_reduction <add>, %mul3A, %reduce_sum3A [1] : vector<1000x128xf32> to vector<1000xf32>
    %broadcast_in_dim3A = vector.shape_cast %reduce_sum3A_13 : vector<1000xf32> to vector<1000x1xf32>
    %sqrt3A = math.sqrt %broadcast_in_dim3A : vector<1000x1xf32>
    %tanh3A = math.tanh %sqrt3A : vector<1000x1xf32>
    %mul3A_14 = vector.broadcast %tanh3A : vector<1000x1xf32> to vector<1000x128xf32>
    %mul3A_15 = arith.mulf %mul3A_14, %div3A_12 : vector<1000x128xf32>
    %max3A_16 = arith.constant 1.000000e-10 : f32
    %max3A_17 = vector.broadcast %max3A_16 : f32 to vector<1000x1xf32>
    %max3A_18 = arith.maximumf %sqrt3A, %max3A_17 : vector<1000x1xf32>
    %div3A_19 = vector.broadcast %max3A_18 : vector<1000x1xf32> to vector<1000x128xf32>
    %div3A_20 = arith.divf %mul3A_15, %div3A_19 : vector<1000x128xf32>
    %swap3A = arith.constant 0 : index
    %swap3A_21 = arith.constant 0 : index
    %swap3A_22 = vector.load %arg2[%swap3A, %swap3A_21] : memref<1000x128xf32, #tpu.memory_space<vmem>>, vector<1000x128xf32>
    tpu.vector_store %arg2[%swap3A, %swap3A_21], %div3A_20 {strides = array<i32>} : memref<1000x128xf32, #tpu.memory_space<vmem>>, vector<1000x128xf32>,
    return
  }
  func.func @transform_0(%arg0: i32) -> (i32, i32, i32) {
    %c0_i32 = arith.constant 0 : i32
    %c0_i32_0 = arith.constant 0 : i32
    %c0_i32_1 = arith.constant 0 : i32
    return %c0_i32, %arg0, %c0_i32_0 : i32, i32, i32
  }
  func.func @transform_1(%arg0: i32) -> (i32, i32) {
    %c0_i32 = arith.constant 0 : i32
    %c0_i32_0 = arith.constant 0 : i32
    return %arg0, %c0_i32 : i32, i32
  }
}

</mosaic_0001>

<sc_bundles>
// kernel: kernel.5.cloned.1.call-start
scs
__scs_entry_jumppad:
0x0: {  	(pc) =	sbr.rel $0x88, $3  }
0x1: {  	(tag) =	ssettag $0x0;
	lr =	simm.s32 $0x1  }
0x2: {  	[smem:$0x3F9D] =	sst lr;
	_ =	strace $0xD0000000  }
0x3: {  	_ = 	snop  }
0x4: {  	_ = 	snop  }
0x5: {  	_ = 	snop  }
0x6: {  	_ = 	snop  }
0x7: {  	_ = 	snop  }
__scs_overlays_trampoline_lowered:
0x8: {  	[smem:$0x3FAC] =	sst s0  }
0x9: {  	[smem:$0x3FAD] =	sst s1  }
0xa: {  	[smem:$0x3FAE] =	sst s2  }
0xb: {  	[smem:$0x3FAF] =	sst s3  }
0xc: {  	[smem:$0x3FB0] =	sst s4  }
0xd: {  	[smem:$0x3FB1] =	sst s5  }
0xe: {  	[smem:$0x3FB2] =	sst s6  }
0xf: {  	[smem:$0x3FB3] =	sst s7  }
0x10: {  	[smem:$0x3FB4] =	sst s8  }
0x11: {  	[smem:$0x3FB5] =	sst s9;
	s0 =	simm.s32 @!p0 $0x0  }
0x12: {  	s1 =	sld [smem:$0x3F9B];
	s0 =	simm.s32 @p0 $0x1  }
0x13: {  	[smem:$0x3FB6] =	sst s0;
	s0 =	simm.s32 @!p1 $0x0  }
0x14: {  	s2 =	sld [smem:$0x3F9A];
	s0 =	simm.s32 @p1 $0x1  }
0x15: {  	[smem:$0x3FB7] =	sst s0;
	s0 =	simm.s32 @!p2 $0x0  }
0x16: {  	s3 =	sld [smem:$0x3FDB];
	s0 =	simm.s32 @p2 $0x1  }
0x17: {  	s4 =	simm.s32 $0x1BF5;
	[smem:$0x3FB9] =	sst s0  }
0x18: {  	s0 =	sld [smem:$0x3F9C];
	_ =	swait.ge [sflag:s4], $0x0  }
0x19: {  	s7 =	sld [smem:$0x3F9D]  }
0x1a: {  	s8 =	sadd.s32 $0xFFFFE003, lr  }
0x1b: {  	s9 =	sadd.s32 $0xFFFFFEF7, lr;
	s5 =	simm.s32 $0xFFFFFFFF;
	p2 =	slt.u32 s8, $0xFFFFF086  }
0x1c: {  	p1 =	slt.u32 s9, $0xF7A;
	s5 =	simm.s32 @!p2 $0x0  }
0x1d: {  	s5 =	simm.s32 @p1 $0x1;
	p0 =	seq.s32 s7, s2  }
0x1e: {  	s7 =	smul.u32 @!p0 $0xF7A, s2;
	p2 =	seq.s32 @!p0 s5, $0x0  }
0x1f: {  	s9 =	smul.u32 $0xF7A, s1;
	s8 =	simm.s32 @!p0 $0x1BF5;
	p2 =	por !p2, p0  }
0x20: {  	[sflag:s8] =	ssyncset.s32 @!p0 $0xFFFFF086;
	s6 =	sadd.s32 @!p0 s3, s7;
	s7 =	simm.s32 @!p0 $0x108  }
0x21: {  	s3 =	sadd.s32 s3, s9;
	s6 =	sadd.s32 @!p0 $0x88, s6;
	s7 =	simm.s32 @p2 $0x1082  }
0x22: {  	[simem:s7], [sflag:s8] =	dma.local @!p0 [hbm:s6], $0xF7A  }
0x23: {  	s9 =	sor.u32 $0xD0000000, s2;
	s6 =	simm.s32 $0x108;
	_ =	swait.ge @!p0 [sflag:s8], $0x0  }
0x24: {  	s3 =	sadd.s32 $0x88, s3;
	s6 =	simm.s32 @!p1 $0x1082;
	[sflag:s4] =	ssyncset.s32 $0xFFFFF086  }
0x25: {  	[simem:s6], [sflag:s4] =	dma.local [hbm:s3], $0xF7A  }
0x26: {  	[smem:$0x3F9D] =	sst s1;
	(tag) =	ssettag s2;
	_ =	strace s9  }
0x27: {  	s1 =	sld [smem:$0x3FAD]  }
0x28: {  	s2 =	sld [smem:$0x3FAE]  }
0x29: {  	s4 =	sld [smem:$0x3FB0]  }
0x2a: {  	p0 =	seq.s32 s5, $0x0;
	s5 =	sld [smem:$0x3FB1]  }
0x2b: {  	s6 =	sld [smem:$0x3FB2]  }
0x2c: {  	s7 =	sld [smem:$0x3FB3]  }
0x2d: {  	s3 =	simm.s32 $0x108;
	s8 =	sld [smem:$0x3FB4]  }
0x2e: {  	s3 =	simm.s32 @!p0 $0x1082;
	s9 =	sld [smem:$0x3FB5]  }
0x2f: {  	lr =	sadd.s32 s0, s3;
	s0 =	sld [smem:$0x3FAC]  }
0x30: {  	s3 =	sld [smem:$0x3FAF]  }
0x31: {  	[smem:$0x3FB8] =	sst s10  }
0x32: {  	s10 =	sld [smem:$0x3FB6];
	_ =	sdelay $0x3  }
0x33: {  	p0 =	seq.s32 s10, $0x1;
	s10 =	sld [smem:$0x3FB8];
	_ =	sdelay $0x3  }
0x34: {  	[smem:$0x3FB8] =	sst s10  }
0x35: {  	s10 =	sld [smem:$0x3FB7];
	_ =	sdelay $0x3  }
0x36: {  	p1 =	seq.s32 s10, $0x1;
	s10 =	sld [smem:$0x3FB8];
	_ =	sdelay $0x3  }
0x37: {  	[smem:$0x3FB8] =	sst s10  }
0x38: {  	s10 =	sld [smem:$0x3FB9]  }
0x39: {  	_ = 	snop;
	(pc) =	sbr.ind lr, $3  }
0x3a: {  	_ = 	snop  }
0x3b: {  	_ = 	snop  }
0x3c: {  	p2 =	seq.s32 s10, $0x1;
	s10 =	sld [smem:$0x3FB8]  }
0x3d: {  	_ =	shalt  }
0x3e: {  	_ =	shalt  }
0x3f: {  	_ =	shalt  }
0x40: {  	_ =	shalt  }
0x41: {  	_ =	shalt  }
0x42: {  	_ =	shalt  }
0x43: {  	_ =	shalt  }
0x44: {  	_ =	shalt  }
0x45: {  	_ =	shalt  }
0x46: {  	_ =	shalt  }
0x47: {  	_ =	shalt  }
0x48: {  	_ =	shalt  }
0x49: {  	_ =	shalt  }
0x4a: {  	_ =	shalt  }
0x4b: {  	_ =	shalt  }
0x4c: {  	_ =	shalt  }
0x4d: {  	_ =	shalt  }
0x4e: {  	_ =	shalt  }
0x4f: {  	_ =	shalt  }
0x50: {  	_ =	shalt  }
0x51: {  	_ =	shalt  }
0x52: {  	_ =	shalt  }
0x53: {  	_ =	shalt  }
0x54: {  	_ =	shalt  }
0x55: {  	_ =	shalt  }
0x56: {  	_ =	shalt  }
0x57: {  	_ =	shalt  }
0x58: {  	_ =	shalt  }
0x59: {  	_ =	shalt  }
0x5a: {  	_ =	shalt  }
0x5b: {  	_ =	shalt  }
0x5c: {  	_ =	shalt  }
0x5d: {  	_ =	shalt  }
0x5e: {  	_ =	shalt  }
0x5f: {  	_ =	shalt  }
0x60: {  	_ =	shalt  }
0x61: {  	_ =	shalt  }
0x62: {  	_ =	shalt  }
0x63: {  	_ =	shalt  }
0x64: {  	_ =	shalt  }
0x65: {  	_ =	shalt  }
0x66: {  	_ =	shalt  }
0x67: {  	_ =	shalt  }
0x68: {  	_ =	shalt  }
0x69: {  	_ =	shalt  }
0x6a: {  	_ =	shalt  }
0x6b: {  	_ =	shalt  }
0x6c: {  	_ =	shalt  }
0x6d: {  	_ =	shalt  }
0x6e: {  	_ =	shalt  }
0x6f: {  	_ =	shalt  }
0x70: {  	_ =	shalt  }
0x71: {  	_ =	shalt  }
0x72: {  	_ =	shalt  }
0x73: {  	_ =	shalt  }
0x74: {  	_ =	shalt  }
0x75: {  	_ =	shalt  }
0x76: {  	_ =	shalt  }
0x77: {  	_ =	shalt  }
0x78: {  	_ =	shalt  }
0x79: {  	_ =	shalt  }
0x7a: {  	_ =	shalt  }
0x7b: {  	_ =	shalt  }
0x7c: {  	_ =	shalt  }
0x7d: {  	_ =	shalt  }
0x7e: {  	_ =	shalt  }
0x7f: {  	_ =	shalt  }
0x80: {  	_ =	shalt  }
0x81: {  	_ =	shalt  }
0x82: {  	_ =	shalt  }
0x83: {  	_ =	shalt  }
0x84: {  	_ =	shalt  }
0x85: {  	_ =	shalt  }
0x86: {  	_ =	shalt  }
0x87: {  	_ =	shalt  }
.Lfunc_end0:
.L_simem_size_0:
called_computation_lowered:
.L_overlay_start_0:
0x88: {  	s2 =	sld [smem:$0x3FD9]  }
0x89: {  	s3 =	sld [smem:$0x3FFE];
	_ =	sdelay $0x1  }
0x8a: {  	s1 =	srdreg.scid  }
0x8b: {  	s0 =	sand.u32 $0x1, s1  }
0x8c: {  	s17 =	sshll.u32 s0, $0xA;
	s2 =	sadd.s32 s3, s2  }
0x8d: {  	s2 =	sadd.s32 s2, s17  }
0x8e: {  	[smem:$0x3FC4] =	sst s2  }
0x8f: {  	_ = 	snop  }
0x90: {  	s2 =	sld [smem:$0x3FD0];
	(tm) =	ssettm $0x1  }
0x91: {  	s18 =	sld [smem:$0x3FFB];
	_ =	sdelay $0x3  }
0x92: {  	_ =	strace s18  }
0x93: {  	s3 =	sld [smem:$0x3FFC];
	_ =	sdelay $0x3  }
0x94: {  	_ =	strace s3  }
0x95: {  	s3 =	sld [smem:$0x3FFD];
	_ =	sdelay $0x3  }
0x96: {  	_ =	strace s3  }
0x97: {  	_ =	strace $0x8FFFFFFF  }
0x98: {  	s19 =	sld [smem:$0x3FDB];
	_ =	sdelay $0x1  }
0x99: {  	s4 =	simm.s32 $_scs_section_size  }
0x9a: {  	s5 =	simm.s32 $_size__tile_overlayer_lowered;
	s6 =	simm.s32 $_tile_overlayer_lowered  }
0x9b: {  	s22 =	simm.s32 $0x1BFF;
	s21 =	sshll.u32 s6, $0x1;
	s3 =	sadd.s32 s4, s19  }
0x9c: {  	s7 =	simm.s32 $0x0;
	s20 =	sshll.u32 s5, $0x1;
	s5 =	sadd.s32 s21, s3  }
0x9d: {  	[timem:s7], [sflag:s22] =	dma.local [hbm:s5], s20  }
0x9e: {  	_ =	swait.ge [sflag:s22], s20  }
0x9f: {  	s4 =	ssub.s32 $0x0, s20;
	[sflag:s22] =	ssyncset.done $0x0  }
0xa0: {  	[sflag:s22] =	ssyncadd.s32 s4;
	_ =	sdelay $0x1  }
0xa1: {  	s23 =	simm.s32 $0x1B8B  }
0xa2: {  	_ =	swait.ge [sflag:s23], $0x1  }
0xa3: {  	[sflag:s23] =	ssyncset.done $0x0  }
0xa4: {  	s25 =	simm.s32 $0x1B8E;
	s24 =	sld [smem:$0x3FFE];
	[sflag:s23] =	ssyncadd.s32 $0xFFFFFFFF  }
0xa5: {  	s26 =	simm.s32 $execute0_lowered;
	[smem:$0x3FD2] =	sst s25  }
0xa6: {  	s5 =	sshll.u32 s26, $0x1;
	_ =	strace $0x80000046;
	[dreg:$0x1] =	wrdreg $0xFFFFFFFF  }
0xa7: {  	s28 =	simm.s32 $_size_execute0_lowered;
	s3 =	sadd.s32 s3, s5;
	[dreg:$0x0] =	wrdreg $0x0  }
0xa8: {  	s5 =	sshll.u32 s28, $0x1;
	[dreg:$0x2] =	wrdreg s3  }
0xa9: {  	[dreg:$0x3] =	wrdreg s5  }
0xaa: {  	[dreg:$0x4] =	wrdreg $0xC0  }
0xab: {  	_ =	task [dreg:s7], $0x5FFFF  }
0xac: {  	[dreg:$0x1] =	wrdreg $0xFFFFFFFF  }
0xad: {  	[dreg:$0x0] =	wrdreg $0x60  }
0xae: {  	[dreg:$0x2] =	wrdreg s24  }
0xaf: {  	[dreg:$0x3] =	wrdreg s2  }
0xb0: {  	[dreg:$0x4] =	wrdreg $0x0  }
0xb1: {  	[dreg:$0x5] =	wrdreg $0x9  }
0xb2: {  	_ =	task.clear_ibuf [dreg:s7], $0x6FFFF;
	_ =	strace $0x90000046  }
0xb3: {  	s29 =	simm.s32 $0x9;
	_ =	strace $0x80000048  }
0xb4: {  	_ =	swait.ge [sflag:s29], $0x1  }
0xb5: {  	[sflag:s29] =	ssyncadd.s32 $0xFFFFFFFF  }
0xb6: {  	_ =	strace $0x90000048  }
0xb7: {  	_ =	sfence  }
0xb8: {  	s30 =	sld [smem:$0x0];
	_ =	sdelay $0x2  }
0xb9: {  	s31 =	sshll.u32 s1, $0xD;
	s1 =	sshrl.u32 s1, $0x2  }
0xba: {  	s3 =	sand.u32 $0x4000, s31;
	s1 =	sadd.s32 s1, s30  }
0xbb: {  	s0 =	sor.u32 s3, s0;
	s1 =	sshll.u32 s1, $0x11  }
0xbc: {  	s0 =	sor.u32 s1, s0  }
0xbd: {  	s0 =	sadd.s32 $0x8F2B, s0  }
0xbe: {  	[sflag:s0] =	ssyncadd.remote.s32 $0x1  }
0xbf: {  	_ =	sfence.sel $0xFFFF  }
0xc0: {  	[dreg:$0x0] =	wrdreg $0xFFFFFFFF;
	(pc) =	sbr.abs _section_cstart, $3  }
0xc1: {  	[dreg:$0x1] =	wrdreg $0xFFFFFFFF  }
0xc2: {  	_ =	task.clear_ibuf [dreg:s7], $0x2FFFF;
	_ =	strace $0x9FFFFFFF  }
0xc3: {  	(tm) =	ssettm $0x7FFFFFFF  }
tec
execute0_lowered:
.L_overlay_start_1:
0x0: {  	(tag) =	ssettag $0x1  }
0x1: {  	s4 =	rddreg [dreg:$0x0]  }
0x2: {  	s9 =	rddreg [dreg:$0x1]  }
0x3: {  	s0 =	srdreg.scid;
	s6 =	rddreg [dreg:$0x2];
	s2 =	simm.s32 $0x0  }
0x4: {  	s15 =	simm.s32 $0x16B80;
	s16 =	simm.s32 $0x1;
	s17 =	simm.s32 $0x16400  }
0x5: {  	s18 =	simm.s32 $0x1B380;
	s19 =	simm.s32 $0x2;
	s20 =	simm.s32 $0x16480  }
0x6: {  	s21 =	simm.s32 $0x16500;
	s22 =	simm.s32 $0x16580;
	s5 =	sand.u32 $0x1, s0  }
0x7: {  	s23 =	simm.s32 $0x16600;
	s0 =	stileid.u32;
	s3 =	smul.u32 $0x28000, s5  }
0x8: {  	s24 =	simm.s32 $0x16680;
	s25 =	simm.s32 $0x16700;
	s7 =	smul.u32 $0x2800, s0  }
0x9: {  	s26 =	simm.s32 $0x0;
	[smem:$0x7FF] =	sst s2;
	s30 =	smul.u32 $0x16380, s0  }
0xa: {  	s8 =	smul.u32 $0x163800, s5;
	_ =	strace $0x80000047;
	s5 =	ssub.s32 $0x2, s5  }
0xb: {  	s31 =	sshll.u32 s0, $0x6;
	s13 =	sshrl.u32 s5, $0x1;
	s3 =	sadd.s32 s7, s3  }
0xc: {  	s12 =	sshrl.u32 s30, $0x3;
	s8 =	sadd.s32 s30, s8;
	s13 =	ssub.s32 s5, s13  }
0xd: {  	s14 =	sadd.s32 s30, s6;
	s5 =	sor.u32 $0x1C03, s31;
	s10 =	sshrl.u32 s3, $0x3  }
0xe: {  	s3 =	sadd.s32 $0x200, s4;
	s12 =	sadd.s32 s12, s4;
	s8 =	sshrl.u32 s8, $0x3  }
0xf: {  	s7 =	smax.u32 s13, $0x1;
	s13 =	simm.s32 $0x16780;
	s11 =	sadd.s32 s10, s4  }
0x10: {  	s8 =	sadd.s32 s8, s4;
	s4 =	sadd.s32 $0x36200, s12;
	s9 =	sadd.s32 s10, s9  }
0x11: {  	s10 =	sshrl.u32 s14, $0x3;
	s12 =	simm.s32 $0x16380;
	s14 =	simm.s32 $0x80  }
0x12: {  	s6 =	sadd.s32 $0x62A00, s8;
	s8 =	sadd.s32 $0x2C200, s11;
	s11 =	simm.s32 $0x3  }
.LBB2_1:
0x13: {  	[spmem:s10], [sflag:s5] =	dma.local [hbm:s4], $0x2C70  }
0x14: {  	_ =	swait.ge [sflag:s11], $0x2C70  }
0x15: {  	[sflag:s11] =	ssyncset.done $0x0  }
0x16: {  	[sflag:s11] =	ssyncadd.s32 $0xFFFFD390  }
0x17: {  	s28 =	sadd.s32 $0x0, s9;
	[bflag:$0x0] =	sbarrier.arrive $0xFFFF  }
0x18: {  	[tilespmem:s12], [sflag:$0x3] =	stream.linear.gather [hbm4b:s28+s2], $0x400, $0x38;
	[tilespmem:$0x1FB80] =	vst v63  }
0x19: {  	_ =	swait.ge [sflag:s11], $0x400  }
0x1a: {  	[sflag:s11] =	ssyncset.done $0x0  }
0x1b: {  	s28 =	sadd.s32 $0x0, s8;
	[sflag:s11] =	ssyncadd.s32 $0xFFFFFC00  }
0x1c: {  	[tilespmem:s13], [sflag:$0x3] =	stream.linear.gather [hbm4b:s28+s2], $0x400, $0x38;
	[tilespmem:$0x1FB80] =	vst v63  }
0x1d: {  	_ =	swait.ge [sflag:s11], $0x400  }
0x1e: {  	[sflag:s11] =	ssyncset.done $0x0  }
0x1f: {  	[sflag:s11] =	ssyncadd.s32 $0xFFFFFC00  }
0x20: {  	[tilespmem:s15], [sflag:$0x1] =	stream.indirect.gather [hbm4b:s3+s14], $0x90, s12, s14, $0xb8;
	[tilespmem:$0x1FB80] =	vst v63  }
0x21: {  	_ =	swait.ge [sflag:s16], $0x4800  }
0x22: {  	[sflag:s16] =	ssyncset.done $0x0  }
0x23: {  	[sflag:s16] =	ssyncadd.s32 $0xFFFFB800  }
0x24: {  	[tilespmem:s18], [sflag:$0x2] =	stream.indirect.gather [hbm4b:s3+s14], $0x90, s17, s14, $0xb8;
	[tilespmem:$0x1FB80] =	vst v63  }
0x25: {  	_ =	swait.ge [sflag:s19], $0x4800  }
0x26: {  	[sflag:s19] =	ssyncset.done $0x0  }
0x27: {  	[sflag:s19] =	ssyncadd.s32 $0xFFFFB800  }
0x28: {  	[tilespmem:s15], [sflag:$0x1] =	stream.indirect.gather [hbm4b:s3+s14], $0x90, s20, s14, $0xb8;
	[tilespmem:$0x1FB80] =	vst v63  }
0x29: {  	_ =	swait.ge [sflag:s16], $0x4800  }
0x2a: {  	[sflag:s16] =	ssyncset.done $0x0  }
0x2b: {  	[sflag:s16] =	ssyncadd.s32 $0xFFFFB800  }
0x2c: {  	[tilespmem:s18], [sflag:$0x2] =	stream.indirect.gather [hbm4b:s3+s14], $0x90, s21, s14, $0xb8;
	[tilespmem:$0x1FB80] =	vst v63  }
0x2d: {  	_ =	swait.ge [sflag:s19], $0x4800  }
0x2e: {  	[sflag:s19] =	ssyncset.done $0x0  }
0x2f: {  	[sflag:s19] =	ssyncadd.s32 $0xFFFFB800  }
0x30: {  	[tilespmem:s15], [sflag:$0x1] =	stream.indirect.gather [hbm4b:s3+s14], $0x90, s22, s14, $0xb8;
	[tilespmem:$0x1FB80] =	vst v63  }
0x31: {  	_ =	swait.ge [sflag:s16], $0x4800  }
0x32: {  	[sflag:s16] =	ssyncset.done $0x0  }
0x33: {  	[sflag:s16] =	ssyncadd.s32 $0xFFFFB800  }
0x34: {  	[tilespmem:s18], [sflag:$0x2] =	stream.indirect.gather [hbm4b:s3+s14], $0x90, s23, s14, $0xb8;
	[tilespmem:$0x1FB80] =	vst v63  }
0x35: {  	_ =	swait.ge [sflag:s19], $0x4800  }
0x36: {  	[sflag:s19] =	ssyncset.done $0x0  }
0x37: {  	[sflag:s19] =	ssyncadd.s32 $0xFFFFB800  }
0x38: {  	[tilespmem:s15], [sflag:$0x1] =	stream.indirect.gather [hbm4b:s3+s14], $0x90, s24, s14, $0xb8;
	[tilespmem:$0x1FB80] =	vst v63  }
0x39: {  	_ =	swait.ge [sflag:s16], $0x4800  }
0x3a: {  	[sflag:s16] =	ssyncset.done $0x0  }
0x3b: {  	[sflag:s16] =	ssyncadd.s32 $0xFFFFB800  }
0x3c: {  	[tilespmem:s18], [sflag:$0x2] =	stream.indirect.gather [hbm4b:s3+s14], $0x90, s25, s14, $0xb8;
	[tilespmem:$0x1FB80] =	vst v63  }
0x3d: {  	_ =	swait.ge [sflag:s19], $0x4800  }
0x3e: {  	s30 =	simm.s32 $0x100;
	s28 =	simm.s32 $0x80;
	[sflag:s19] =	ssyncset.done $0x0  }
.LBB2_2:
0x3f: {  	s31 =	sadd.s32 s28, s9  }
0x40: {  	[sflag:s19] =	ssyncadd.s32 $0xFFFFB800;
	s1 =	smov.u32 s30;
	s29 =	sadd.s32 $0x80, s30  }
0x41: {  	[tilespmem:s12], [sflag:$0x3] =	stream.linear.gather [hbm4b:s31+s2], $0x400, $0x38;
	[tilespmem:$0x1FB80] =	vst v63  }
0x42: {  	p0 =	sne.s32 s30, $0x480;
	_ =	swait.ge [sflag:s11], $0x400  }
0x43: {  	[sflag:s11] =	ssyncset.done $0x0  }
0x44: {  	s30 =	sadd.s32 s28, s8;
	s28 =	smov.u32 s1;
	[sflag:s11] =	ssyncadd.s32 $0xFFFFFC00  }
0x45: {  	[tilespmem:s13], [sflag:$0x3] =	stream.linear.gather [hbm4b:s30+s2], $0x400, $0x38;
	[tilespmem:$0x1FB80] =	vst v63  }
0x46: {  	_ =	swait.ge [sflag:s11], $0x400  }
0x47: {  	[sflag:s11] =	ssyncset.done $0x0  }
0x48: {  	[sflag:s11] =	ssyncadd.s32 $0xFFFFFC00  }
0x49: {  	[tilespmem:s15], [sflag:$0x1] =	stream.indirect.gather [hbm4b:s3+s14], $0x90, s12, s14, $0xb8;
	[tilespmem:$0x1FB80] =	vst v63  }
0x4a: {  	_ =	swait.ge [sflag:s16], $0x4800  }
0x4b: {  	[sflag:s16] =	ssyncset.done $0x0  }
0x4c: {  	[sflag:s16] =	ssyncadd.s32 $0xFFFFB800  }
0x4d: {  	[tilespmem:s18], [sflag:$0x2] =	stream.indirect.gather [hbm4b:s3+s14], $0x90, s17, s14, $0xb8;
	[tilespmem:$0x1FB80] =	vst v63  }
0x4e: {  	_ =	swait.ge [sflag:s19], $0x4800  }
0x4f: {  	[sflag:s19] =	ssyncset.done $0x0  }
0x50: {  	[sflag:s19] =	ssyncadd.s32 $0xFFFFB800  }
0x51: {  	[tilespmem:s15], [sflag:$0x1] =	stream.indirect.gather [hbm4b:s3+s14], $0x90, s20, s14, $0xb8;
	[tilespmem:$0x1FB80] =	vst v63  }
0x52: {  	_ =	swait.ge [sflag:s16], $0x4800  }
0x53: {  	[sflag:s16] =	ssyncset.done $0x0  }
0x54: {  	[sflag:s16] =	ssyncadd.s32 $0xFFFFB800  }
0x55: {  	[tilespmem:s18], [sflag:$0x2] =	stream.indirect.gather [hbm4b:s3+s14], $0x90, s21, s14, $0xb8;
	[tilespmem:$0x1FB80] =	vst v63  }
0x56: {  	_ =	swait.ge [sflag:s19], $0x4800  }
0x57: {  	[sflag:s19] =	ssyncset.done $0x0  }
0x58: {  	[sflag:s19] =	ssyncadd.s32 $0xFFFFB800  }
0x59: {  	[tilespmem:s15], [sflag:$0x1] =	stream.indirect.gather [hbm4b:s3+s14], $0x90, s22, s14, $0xb8;
	[tilespmem:$0x1FB80] =	vst v63  }
0x5a: {  	_ =	swait.ge [sflag:s16], $0x4800  }
0x5b: {  	[sflag:s16] =	ssyncset.done $0x0  }
0x5c: {  	[sflag:s16] =	ssyncadd.s32 $0xFFFFB800  }
0x5d: {  	[tilespmem:s18], [sflag:$0x2] =	stream.indirect.gather [hbm4b:s3+s14], $0x90, s23, s14, $0xb8;
	[tilespmem:$0x1FB80] =	vst v63  }
0x5e: {  	_ =	swait.ge [sflag:s19], $0x4800  }
0x5f: {  	[sflag:s19] =	ssyncset.done $0x0  }
0x60: {  	[sflag:s19] =	ssyncadd.s32 $0xFFFFB800  }
0x61: {  	[tilespmem:s15], [sflag:$0x1] =	stream.indirect.gather [hbm4b:s3+s14], $0x90, s24, s14, $0xb8;
	[tilespmem:$0x1FB80] =	vst v63  }
0x62: {  	_ =	swait.ge [sflag:s16], $0x4800  }
.Ltmp0:
0x63: {  	[sflag:s16] =	ssyncset.done $0x0;
	(pc) =	sbr.rel @p0 .LBB2_2-.Ltmp0, $4  }
0x64: {  	[sflag:s16] =	ssyncadd.s32 $0xFFFFB800  }
0x65: {  	[tilespmem:s18], [sflag:$0x2] =	stream.indirect.gather [hbm4b:s3+s14], $0x90, s25, s14, $0xb8;
	[tilespmem:$0x1FB80] =	vst v63  }
0x66: {  	_ =	swait.ge [sflag:s19], $0x4800  }
0x67: {  	s30 =	smov.u32 s29;
	[sflag:s19] =	ssyncset.done $0x0  }
0x68: {  	s1 =	sadd.s32 s28, s9;
	[sflag:s19] =	ssyncadd.s32 $0xFFFFB800  }
0x69: {  	[tilespmem:s12], [sflag:$0x3] =	stream.linear.gather [hbm4b:s1+s2], $0x400, $0x38;
	[tilespmem:$0x1FB80] =	vst v63  }
0x6a: {  	_ =	swait.ge [sflag:s11], $0x400  }
0x6b: {  	[sflag:s11] =	ssyncset.done $0x0  }
0x6c: {  	s31 =	sadd.s32 s28, s8;
	[sflag:s11] =	ssyncadd.s32 $0xFFFFFC00  }
0x6d: {  	[tilespmem:s13], [sflag:$0x3] =	stream.linear.gather [hbm4b:s31+s2], $0x400, $0x38;
	[tilespmem:$0x1FB80] =	vst v63  }
0x6e: {  	_ =	swait.ge [sflag:s11], $0x400  }
0x6f: {  	[sflag:s11] =	ssyncset.done $0x0  }
0x70: {  	[sflag:s11] =	ssyncadd.s32 $0xFFFFFC00  }
0x71: {  	[tilespmem:s15], [sflag:$0x1] =	stream.indirect.gather [hbm4b:s3+s14], $0x90, s12, s14, $0xb8;
	[tilespmem:$0x1FB80] =	vst v63  }
0x72: {  	_ =	swait.ge [sflag:s16], $0x4800  }
0x73: {  	[sflag:s16] =	ssyncset.done $0x0  }
0x74: {  	[sflag:s16] =	ssyncadd.s32 $0xFFFFB800  }
0x75: {  	[tilespmem:s18], [sflag:$0x2] =	stream.indirect.gather [hbm4b:s3+s14], $0x90, s17, s14, $0xb8;
	[tilespmem:$0x1FB80] =	vst v63  }
0x76: {  	_ =	swait.ge [sflag:s19], $0x4800  }
0x77: {  	[sflag:s19] =	ssyncset.done $0x0  }
0x78: {  	[sflag:s19] =	ssyncadd.s32 $0xFFFFB800  }
0x79: {  	[tilespmem:s15], [sflag:$0x1] =	stream.indirect.gather [hbm4b:s3+s14], $0x90, s20, s14, $0xb8;
	[tilespmem:$0x1FB80] =	vst v63  }
0x7a: {  	_ =	swait.ge [sflag:s16], $0x4800  }
0x7b: {  	[sflag:s16] =	ssyncset.done $0x0  }
0x7c: {  	[sflag:s16] =	ssyncadd.s32 $0xFFFFB800  }
0x7d: {  	[tilespmem:s18], [sflag:$0x2] =	stream.indirect.gather [hbm4b:s3+s14], $0x90, s21, s14, $0xb8;
	[tilespmem:$0x1FB80] =	vst v63  }
0x7e: {  	_ =	swait.ge [sflag:s19], $0x4800  }
0x7f: {  	[sflag:s19] =	ssyncset.done $0x0  }
0x80: {  	[sflag:s19] =	ssyncadd.s32 $0xFFFFB800  }
0x81: {  	[tilespmem:s15], [sflag:$0x1] =	stream.indirect.gather [hbm4b:s3+s14], $0x90, s22, s14, $0xb8;
	[tilespmem:$0x1FB80] =	vst v63  }
0x82: {  	_ =	swait.ge [sflag:s16], $0x4800  }
0x83: {  	[sflag:s16] =	ssyncset.done $0x0  }
0x84: {  	[sflag:s16] =	ssyncadd.s32 $0xFFFFB800  }
0x85: {  	[tilespmem:s18], [sflag:$0x2] =	stream.indirect.gather [hbm4b:s3+s14], $0x90, s23, s14, $0xb8;
	[tilespmem:$0x1FB80] =	vst v63  }
0x86: {  	_ =	swait.ge [sflag:s19], $0x4800  }
0x87: {  	[sflag:s19] =	ssyncset.done $0x0  }
0x88: {  	[sflag:s19] =	ssyncadd.s32 $0xFFFFB800  }
0x89: {  	[tilespmem:s15], [sflag:$0x1] =	stream.indirect.gather [hbm4b:s3+s14], $0x90, s24, s14, $0xb8;
	[tilespmem:$0x1FB80] =	vst v63  }
0x8a: {  	_ =	swait.ge [sflag:s16], $0x4800  }
0x8b: {  	[sflag:s16] =	ssyncset.done $0x0  }
0x8c: {  	[sflag:s16] =	ssyncadd.s32 $0xFFFFB800  }
0x8d: {  	[tilespmem:s18], [sflag:$0x2] =	stream.indirect.gather [hbm4b:s3+s14], $0x90, s25, s14, $0xb8;
	[tilespmem:$0x1FB80] =	vst v63  }
0x8e: {  	_ =	swait.ge [sflag:s19], $0x4800  }
0x8f: {  	s26 =	sadd.s32 $0x1, s26;
	[sflag:s19] =	ssyncset.done $0x0  }
0x90: {  	p0 =	sne.s32 s26, s7;
	[sflag:s19] =	ssyncadd.s32 $0xFFFFB800  }
.Ltmp1:
0x91: {  	[bflag:$0x0] =	sbarrier.arrive $0xFFFF;
	(pc) =	sbr.rel @p0 .LBB2_1-.Ltmp1, $4  }
0x92: {  	[hbm:s6], [sflag:s5] =	dma.local [spmem:s10], $0x2C70  }
0x93: {  	_ =	swait.ge [sflag:s11], $0x2C70  }
0x94: {  	[sflag:s11] =	ssyncset.done $0x0  }
0x95: {  	[sflag:s11] =	ssyncadd.s32 $0xFFFFD390  }
0x96: {  	_ =	sfence.sel $0x180000  }
0x97: {  	[bflag:$0x0] =	sbarrier.arrive $0xFFFF  }
0x98: {  	_ =	strace $0x90000047  }
0x99: {  	[bflag:$0x2] =	sbarrier.arrive $0xFFFF  }
0x9a: {  	p0 =	sne.s32 s0, $0x0;
	s0 =	rddreg [dreg:$0x3]  }
0x9b: {  	s0 =	sadd.s32 @!p0 $0x100000, s0  }
0x9c: {  	[sflag:s0] =	ssyncadd.tile.s32 @!p0 $0x1;
	_ =	shalt  }
.Lfunc_end2:
_tile_overlayer_lowered:
.L_overlay_start_2:
0x9d: {  	(tag) =	ssettag $0x2  }
0x9e: {  	s0 =	rddreg [dreg:$0x0];
	s2 =	stileid.u32  }
0x9f: {  	s1 =	rddreg [dreg:$0x1];
	p0 =	sne.s32 s2, $0x0  }
0xa0: {  	s3 =	rddreg [dreg:$0x2];
	[bflag:$0x3] =	sbarrier.arrive $0xFFFF;
	s2 =	simm.s32 @!p0 $0x1C03  }
0xa1: {  	[timem:s3], [sflag:s2] =	dma.local @!p0 [hbm:s0], s1  }
0xa2: {  	s0 =	simm.s32 @!p0 $0x3  }
0xa3: {  	_ =	swait.ge @!p0 [sflag:s0], s1  }
0xa4: {  	s1 =	ssub.s32 @!p0 $0x0, s1;
	[sflag:s0] =	ssyncset.done @!p0 $0x0  }
0xa5: {  	[sflag:s0] =	ssyncadd.s32 @!p0 s1  }
0xa6: {  	[bflag:$0x3] =	sbarrier.arrive $0xFFFF  }
0xa7: {  	_ =	shalt  }

</sc_bundles>
